<compile_context>
chip_gen: v7x
topology: tpu7x:2x2x1
jax: 0.10.2.dev20260603
libtpu: 0.0.44.dev20260713+nightly
codegen_flags: <defaults>
</compile_context>

<pallas_src>
import functools

import jax
import jax.numpy as jnp
from jax import lax
from jax.experimental import pallas as pl
from jax.experimental.pallas import tpu as pltpu
from jax.experimental.pallas import tpu_sc as plsc

NUM_CORES = 2
NUM_SUBCORES = 16
NUM_WORKERS = NUM_CORES * NUM_SUBCORES
CHUNK = 128


NBUF = 4
ROWS_PER_STREAM = 1
SROWS = ROWS_PER_STREAM * CHUNK


def _build_kernel(B, D, n_chunks):
    b_per_w = n_chunks * CHUNK
    n_streams = n_chunks // ROWS_PER_STREAM
    n_groups = n_streams // NBUF
    assert n_streams == n_groups * NBUF and n_streams * SROWS == b_per_w
    mesh = plsc.VectorSubcoreMesh(core_axis_name="c", subcore_axis_name="s")

    @functools.partial(
        pl.kernel,
        mesh=mesh,
        out_type=jax.ShapeDtypeStruct((B, D), jnp.float32),
        scratch_types=[
            pltpu.VMEM((b_per_w,), jnp.int32),
        ]
        + [pltpu.VMEM((SROWS, D), jnp.float32) for _ in range(NBUF)]
        + [pltpu.SemaphoreType.DMA for _ in range(2 * NBUF)],
    )
    def k(table_hbm, idx_hbm, out_hbm, idx_v, *scratch):
        rows = scratch[:NBUF]
        gsem = scratch[NBUF:2 * NBUF]
        ssem = scratch[2 * NBUF:3 * NBUF]
        wid = lax.axis_index("s") * NUM_CORES + lax.axis_index("c")
        base = wid * b_per_w
        pltpu.sync_copy(idx_hbm.at[pl.ds(wid * b_per_w, b_per_w)], idx_v)

        def gather(i, b):
            pltpu.async_copy(
                table_hbm.at[idx_v.at[pl.ds(i * SROWS, SROWS)]],
                rows[b], gsem[b])

        def wait_gather(i, b):
            pltpu.make_async_copy(
                table_hbm.at[idx_v.at[pl.ds(i * SROWS, SROWS)]],
                rows[b], gsem[b]).wait()

        def scatter(i, b):
            pltpu.async_copy(
                rows[b], out_hbm.at[pl.ds(base + i * SROWS, SROWS)], ssem[b])

        def wait_scatter(i, b):
            pltpu.make_async_copy(
                rows[b], out_hbm.at[pl.ds(base + i * SROWS, SROWS)],
                ssem[b]).wait()

        for b in range(NBUF):
            gather(b, b)

        def group(g, carry):
            i0 = g * NBUF
            for b in range(NBUF):
                wait_gather(i0 + b, b)
                scatter(i0 + b, b)
            for b in range(NBUF):
                wait_scatter(i0 + b, b)
                gather(i0 + NBUF + b, b)
            return carry

        lax.fori_loop(0, n_groups - 1, group, 0)

        i0 = (n_groups - 1) * NBUF
        for b in range(NBUF):
            wait_gather(i0 + b, b)
            scatter(i0 + b, b)
        for b in range(NBUF):
            wait_scatter(i0 + b, b)

    return k


def kernel(input, embedding):
    D = embedding.shape[1]
    B = input.size
    idx = input.reshape(-1).astype(jnp.int32)
    n_chunks = B // (NUM_WORKERS * CHUNK)
    out = _build_kernel(B, D, n_chunks)(embedding, idx)
    return out.reshape(input.shape + (D,))

# --- scband reference (transcript-rebuilt; emitter-appended) ---
"""Pipeline reference for scband-embedding-18614388261420 (READ-ONLY COPY).

The authoritative reference and input builder live on the scoring server;
editing this copy changes nothing except your own understanding.
"""

import jax, jax.numpy as jnp
import numpy as np

NUM_EMBEDDINGS = 100000
EMBEDDING_DIM = 128

def setup_inputs(seed: int = 0) -> dict:
    key = jax.random.key(seed)
    k_idx, k_emb = jax.random.split(key)
    input_ = jax.random.randint(k_idx, (4096, 200), 0, NUM_EMBEDDINGS, dtype=jnp.int64 if jax.config.read('jax_enable_x64') else jnp.int32)
    # learned parameter: truncated normal init, std=1, clipped at +/-3
    embedding = jax.random.truncated_normal(k_emb, -3.0, 3.0, (NUM_EMBEDDINGS, EMBEDDING_DIM), dtype=jnp.float32)
    return {"input": input_, "embedding": embedding}

def reference(input, embedding):
    # Faithful translation of: return self.embedding[input]
    return jnp.take(embedding, input, axis=0)

if __name__ == "__main__":
    import jax
    _d = setup_inputs()
    print(jax.jit(kernel)(*tuple(_d.values())))

</pallas_src>

<mosaic_0001>
#map = affine_map<(d0, d1) -> (0, 0)>
#map1 = affine_map<(d0, d1) -> (0)>
module attributes {stable_mosaic.version = 14 : i64} {
  func.func @k(%arg0: i32, %arg1: i32, %arg2: memref<100000x128xf32, #tpu.memory_space<hbm>>, %arg3: memref<819200xi32, #tpu.memory_space<hbm>>, %arg4: memref<819200x128xf32, #tpu.memory_space<hbm>>, %arg5: memref<25600xi32, #tpu.memory_space<vmem>>, %arg6: memref<128x128xf32, #tpu.memory_space<vmem>>, %arg7: memref<128x128xf32, #tpu.memory_space<vmem>>, %arg8: memref<128x128xf32, #tpu.memory_space<vmem>>, %arg9: memref<128x128xf32, #tpu.memory_space<vmem>>, %arg10: memref<!tpu.dma_semaphore, #tpu.memory_space<semaphore_mem>>, %arg11: memref<!tpu.dma_semaphore, #tpu.memory_space<semaphore_mem>>, %arg12: memref<!tpu.dma_semaphore, #tpu.memory_space<semaphore_mem>>, %arg13: memref<!tpu.dma_semaphore, #tpu.memory_space<semaphore_mem>>, %arg14: memref<!tpu.dma_semaphore, #tpu.memory_space<semaphore_mem>>, %arg15: memref<!tpu.dma_semaphore, #tpu.memory_space<semaphore_mem>>, %arg16: memref<!tpu.dma_semaphore, #tpu.memory_space<semaphore_mem>>, %arg17: memref<!tpu.dma_semaphore, #tpu.memory_space<semaphore_mem>>) attributes {dimension_semantics = [#tpu.dimension_semantics<core_parallel>, #tpu.dimension_semantics<subcore_parallel>], iteration_bounds = array<i64: 2, 16>, scalar_prefetch = 0 : i64, scratch_operands = 13 : i64, tpu.core_type = #tpu.core_type<sc_vector_subcore>, window_params = [{transform_indices = #map}, {transform_indices = #map1}, {transform_indices = #map}]} {
    %mul3A = arith.constant 2 : i32
    %mul3A_0 = arith.muli %arg1, %mul3A : i32
    %add3A = arith.addi %mul3A_0, %arg0 : i32
    %mul3A_1 = arith.constant 25600 : i32
    %mul3A_2 = arith.muli %add3A, %mul3A_1 : i32
    %mul3A_3 = arith.constant 25600 : i32
    %mul3A_4 = arith.muli %add3A, %mul3A_3 : i32
    "tpu.region"() ({
      %run_scoped3A = tpu.sem_alloc : memref<!tpu.dma_semaphore, #tpu.memory_space<semaphore_mem>>
      %dma_start3A_96 = tpu.memref_slice %arg3[%mul3A_4] : memref<819200xi32, #tpu.memory_space<hbm>> -> memref<25600xi32, #tpu.memory_space<hbm>>
      %dma_start3A_97 = tpu.memref_slice %arg3[%mul3A_4] : memref<819200xi32, #tpu.memory_space<hbm>> -> memref<25600xi32, #tpu.memory_space<hbm>>
      tpu.enqueue_dma source(%dma_start3A_97 : memref<25600xi32, #tpu.memory_space<hbm>>) target(%arg5 : memref<25600xi32, #tpu.memory_space<vmem>>) target_semaphore(%run_scoped3A : memref<!tpu.dma_semaphore, #tpu.memory_space<semaphore_mem>>)
      %dma_wait3A_98 = tpu.memref_slice %arg3[%mul3A_4] : memref<819200xi32, #tpu.memory_space<hbm>> -> memref<25600xi32, #tpu.memory_space<hbm>>
      %dma_wait3A_99 = tpu.memref_slice %arg3[%mul3A_4] : memref<819200xi32, #tpu.memory_space<hbm>> -> memref<25600xi32, #tpu.memory_space<hbm>>
      tpu.wait_dma2 semaphore(%run_scoped3A : memref<!tpu.dma_semaphore, #tpu.memory_space<semaphore_mem>>) src(%dma_wait3A_99 : memref<25600xi32, #tpu.memory_space<hbm>>) dst(%arg5 : memref<25600xi32, #tpu.memory_space<vmem>>)
      tpu.yield
    }) : () -> ()
    %dma_start3A = arith.constant 0 : i32
    %dma_start3A_5 = tpu.memref_slice %arg5[%dma_start3A] : memref<25600xi32, #tpu.memory_space<vmem>> -> memref<128xi32, #tpu.memory_space<vmem>>
    %dma_start3A_6 = arith.constant 0 : i32
    %dma_start3A_7 = arith.constant 0 : i32
    %dma_start3A_8 = tpu.memref_slice %arg2[%dma_start3A_6, %dma_start3A_7] : memref<100000x128xf32, #tpu.memory_space<hbm>> -> memref<100000x128xf32, #tpu.memory_space<hbm>>
    tpu.enqueue_indirect_dma source(%dma_start3A_8 : memref<100000x128xf32, #tpu.memory_space<hbm>>) target(%arg6 : memref<128x128xf32, #tpu.memory_space<vmem>>) offsets(%dma_start3A_5 : memref<128xi32, #tpu.memory_space<vmem>>) semaphore(%arg10 : memref<!tpu.dma_semaphore, #tpu.memory_space<semaphore_mem>>)
    %dma_start3A_9 = arith.constant 128 : i32
    %dma_start3A_10 = tpu.memref_slice %arg5[%dma_start3A_9] : memref<25600xi32, #tpu.memory_space<vmem>> -> memref<128xi32, #tpu.memory_space<vmem>>
    %dma_start3A_11 = arith.constant 0 : i32
    %dma_start3A_12 = arith.constant 0 : i32
    %dma_start3A_13 = tpu.memref_slice %arg2[%dma_start3A_11, %dma_start3A_12] : memref<100000x128xf32, #tpu.memory_space<hbm>> -> memref<100000x128xf32, #tpu.memory_space<hbm>>
    tpu.enqueue_indirect_dma source(%dma_start3A_13 : memref<100000x128xf32, #tpu.memory_space<hbm>>) target(%arg7 : memref<128x128xf32, #tpu.memory_space<vmem>>) offsets(%dma_start3A_10 : memref<128xi32, #tpu.memory_space<vmem>>) semaphore(%arg11 : memref<!tpu.dma_semaphore, #tpu.memory_space<semaphore_mem>>)
    %dma_start3A_14 = arith.constant 256 : i32
    %dma_start3A_15 = tpu.memref_slice %arg5[%dma_start3A_14] : memref<25600xi32, #tpu.memory_space<vmem>> -> memref<128xi32, #tpu.memory_space<vmem>>
    %dma_start3A_16 = arith.constant 0 : i32
    %dma_start3A_17 = arith.constant 0 : i32
    %dma_start3A_18 = tpu.memref_slice %arg2[%dma_start3A_16, %dma_start3A_17] : memref<100000x128xf32, #tpu.memory_space<hbm>> -> memref<100000x128xf32, #tpu.memory_space<hbm>>
    tpu.enqueue_indirect_dma source(%dma_start3A_18 : memref<100000x128xf32, #tpu.memory_space<hbm>>) target(%arg8 : memref<128x128xf32, #tpu.memory_space<vmem>>) offsets(%dma_start3A_15 : memref<128xi32, #tpu.memory_space<vmem>>) semaphore(%arg12 : memref<!tpu.dma_semaphore, #tpu.memory_space<semaphore_mem>>)
    %dma_start3A_19 = arith.constant 384 : i32
    %dma_start3A_20 = tpu.memref_slice %arg5[%dma_start3A_19] : memref<25600xi32, #tpu.memory_space<vmem>> -> memref<128xi32, #tpu.memory_space<vmem>>
    %dma_start3A_21 = arith.constant 0 : i32
    %dma_start3A_22 = arith.constant 0 : i32
    %dma_start3A_23 = tpu.memref_slice %arg2[%dma_start3A_21, %dma_start3A_22] : memref<100000x128xf32, #tpu.memory_space<hbm>> -> memref<100000x128xf32, #tpu.memory_space<hbm>>
    tpu.enqueue_indirect_dma source(%dma_start3A_23 : memref<100000x128xf32, #tpu.memory_space<hbm>>) target(%arg9 : memref<128x128xf32, #tpu.memory_space<vmem>>) offsets(%dma_start3A_20 : memref<128xi32, #tpu.memory_space<vmem>>) semaphore(%arg13 : memref<!tpu.dma_semaphore, #tpu.memory_space<semaphore_mem>>)
    %scan3A = arith.constant 0 : i32
    %scan3A_24 = arith.constant 0 : i32
    %scan3A_25 = arith.constant 49 : i32
    %scan3A_26 = arith.addi %scan3A_24, %scan3A_25 : i32
    %scan3A_27 = arith.constant 1 : i32
    scf.for %scan3A_96 = %scan3A_24 to %scan3A_26 step %scan3A_27  : i32 {
      %mul3A_97 = arith.constant 4 : i32
      %mul3A_98 = arith.muli %scan3A_96, %mul3A_97 : i32
      %add3A_99 = arith.constant 0 : i32
      %add3A_100 = arith.addi %mul3A_98, %add3A_99 : i32
      %mul3A_101 = arith.constant 128 : i32
      %mul3A_102 = arith.muli %add3A_100, %mul3A_101 : i32
      %dma_wait3A_103 = tpu.memref_slice %arg5[%mul3A_102] : memref<25600xi32, #tpu.memory_space<vmem>> -> memref<128xi32, #tpu.memory_space<vmem>>
      %dma_wait3A_104 = arith.constant 0 : i32
      %dma_wait3A_105 = arith.constant 0 : i32
      %dma_wait3A_106 = tpu.memref_slice %arg2[%dma_wait3A_104, %dma_wait3A_105] : memref<100000x128xf32, #tpu.memory_space<hbm>> -> memref<100000x128xf32, #tpu.memory_space<hbm>>
      tpu.wait_indirect_dma semaphore(%arg10 : memref<!tpu.dma_semaphore, #tpu.memory_space<semaphore_mem>>) src(%dma_wait3A_106 : memref<100000x128xf32, #tpu.memory_space<hbm>>) dst(%arg6 : memref<128x128xf32, #tpu.memory_space<vmem>>)
      %add3A_107 = arith.constant 0 : i32
      %add3A_108 = arith.addi %mul3A_98, %add3A_107 : i32
      %mul3A_109 = arith.constant 128 : i32
      %mul3A_110 = arith.muli %add3A_108, %mul3A_109 : i32
      %add3A_111 = arith.addi %mul3A_2, %mul3A_110 : i32
      %dma_start3A_112 = arith.constant 0 : i32
      %dma_start3A_113 = tpu.memref_slice %arg4[%add3A_111, %dma_start3A_112] : memref<819200x128xf32, #tpu.memory_space<hbm>> -> memref<128x128xf32, #tpu.memory_space<hbm>>
      %dma_start3A_114 = arith.constant 0 : i32
      %dma_start3A_115 = tpu.memref_slice %arg4[%add3A_111, %dma_start3A_114] : memref<819200x128xf32, #tpu.memory_space<hbm>> -> memref<128x128xf32, #tpu.memory_space<hbm>>
      tpu.enqueue_dma source(%arg6 : memref<128x128xf32, #tpu.memory_space<vmem>>) target(%dma_start3A_115 : memref<128x128xf32, #tpu.memory_space<hbm>>) target_semaphore(%arg14 : memref<!tpu.dma_semaphore, #tpu.memory_space<semaphore_mem>>)
      %add3A_116 = arith.constant 1 : i32
      %add3A_117 = arith.addi %mul3A_98, %add3A_116 : i32
      %mul3A_118 = arith.constant 128 : i32
      %mul3A_119 = arith.muli %add3A_117, %mul3A_118 : i32
      %dma_wait3A_120 = tpu.memref_slice %arg5[%mul3A_119] : memref<25600xi32, #tpu.memory_space<vmem>> -> memref<128xi32, #tpu.memory_space<vmem>>
      %dma_wait3A_121 = arith.constant 0 : i32
      %dma_wait3A_122 = arith.constant 0 : i32
      %dma_wait3A_123 = tpu.memref_slice %arg2[%dma_wait3A_121, %dma_wait3A_122] : memref<100000x128xf32, #tpu.memory_space<hbm>> -> memref<100000x128xf32, #tpu.memory_space<hbm>>
      tpu.wait_indirect_dma semaphore(%arg11 : memref<!tpu.dma_semaphore, #tpu.memory_space<semaphore_mem>>) src(%dma_wait3A_123 : memref<100000x128xf32, #tpu.memory_space<hbm>>) dst(%arg7 : memref<128x128xf32, #tpu.memory_space<vmem>>)
      %add3A_124 = arith.constant 1 : i32
      %add3A_125 = arith.addi %mul3A_98, %add3A_124 : i32
      %mul3A_126 = arith.constant 128 : i32
      %mul3A_127 = arith.muli %add3A_125, %mul3A_126 : i32
      %add3A_128 = arith.addi %mul3A_2, %mul3A_127 : i32
      %dma_start3A_129 = arith.constant 0 : i32
      %dma_start3A_130 = tpu.memref_slice %arg4[%add3A_128, %dma_start3A_129] : memref<819200x128xf32, #tpu.memory_space<hbm>> -> memref<128x128xf32, #tpu.memory_space<hbm>>
      %dma_start3A_131 = arith.constant 0 : i32
      %dma_start3A_132 = tpu.memref_slice %arg4[%add3A_128, %dma_start3A_131] : memref<819200x128xf32, #tpu.memory_space<hbm>> -> memref<128x128xf32, #tpu.memory_space<hbm>>
      tpu.enqueue_dma source(%arg7 : memref<128x128xf32, #tpu.memory_space<vmem>>) target(%dma_start3A_132 : memref<128x128xf32, #tpu.memory_space<hbm>>) target_semaphore(%arg15 : memref<!tpu.dma_semaphore, #tpu.memory_space<semaphore_mem>>)
      %add3A_133 = arith.constant 2 : i32
      %add3A_134 = arith.addi %mul3A_98, %add3A_133 : i32
      %mul3A_135 = arith.constant 128 : i32
      %mul3A_136 = arith.muli %add3A_134, %mul3A_135 : i32
      %dma_wait3A_137 = tpu.memref_slice %arg5[%mul3A_136] : memref<25600xi32, #tpu.memory_space<vmem>> -> memref<128xi32, #tpu.memory_space<vmem>>
      %dma_wait3A_138 = arith.constant 0 : i32
      %dma_wait3A_139 = arith.constant 0 : i32
      %dma_wait3A_140 = tpu.memref_slice %arg2[%dma_wait3A_138, %dma_wait3A_139] : memref<100000x128xf32, #tpu.memory_space<hbm>> -> memref<100000x128xf32, #tpu.memory_space<hbm>>
      tpu.wait_indirect_dma semaphore(%arg12 : memref<!tpu.dma_semaphore, #tpu.memory_space<semaphore_mem>>) src(%dma_wait3A_140 : memref<100000x128xf32, #tpu.memory_space<hbm>>) dst(%arg8 : memref<128x128xf32, #tpu.memory_space<vmem>>)
      %add3A_141 = arith.constant 2 : i32
      %add3A_142 = arith.addi %mul3A_98, %add3A_141 : i32
      %mul3A_143 = arith.constant 128 : i32
      %mul3A_144 = arith.muli %add3A_142, %mul3A_143 : i32
      %add3A_145 = arith.addi %mul3A_2, %mul3A_144 : i32
      %dma_start3A_146 = arith.constant 0 : i32
      %dma_start3A_147 = tpu.memref_slice %arg4[%add3A_145, %dma_start3A_146] : memref<819200x128xf32, #tpu.memory_space<hbm>> -> memref<128x128xf32, #tpu.memory_space<hbm>>
      %dma_start3A_148 = arith.constant 0 : i32
      %dma_start3A_149 = tpu.memref_slice %arg4[%add3A_145, %dma_start3A_148] : memref<819200x128xf32, #tpu.memory_space<hbm>> -> memref<128x128xf32, #tpu.memory_space<hbm>>
      tpu.enqueue_dma source(%arg8 : memref<128x128xf32, #tpu.memory_space<vmem>>) target(%dma_start3A_149 : memref<128x128xf32, #tpu.memory_space<hbm>>) target_semaphore(%arg16 : memref<!tpu.dma_semaphore, #tpu.memory_space<semaphore_mem>>)
      %add3A_150 = arith.constant 3 : i32
      %add3A_151 = arith.addi %mul3A_98, %add3A_150 : i32
      %mul3A_152 = arith.constant 128 : i32
      %mul3A_153 = arith.muli %add3A_151, %mul3A_152 : i32
      %dma_wait3A_154 = tpu.memref_slice %arg5[%mul3A_153] : memref<25600xi32, #tpu.memory_space<vmem>> -> memref<128xi32, #tpu.memory_space<vmem>>
      %dma_wait3A_155 = arith.constant 0 : i32
      %dma_wait3A_156 = arith.constant 0 : i32
      %dma_wait3A_157 = tpu.memref_slice %arg2[%dma_wait3A_155, %dma_wait3A_156] : memref<100000x128xf32, #tpu.memory_space<hbm>> -> memref<100000x128xf32, #tpu.memory_space<hbm>>
      tpu.wait_indirect_dma semaphore(%arg13 : memref<!tpu.dma_semaphore, #tpu.memory_space<semaphore_mem>>) src(%dma_wait3A_157 : memref<100000x128xf32, #tpu.memory_space<hbm>>) dst(%arg9 : memref<128x128xf32, #tpu.memory_space<vmem>>)
      %add3A_158 = arith.constant 3 : i32
      %add3A_159 = arith.addi %mul3A_98, %add3A_158 : i32
      %mul3A_160 = arith.constant 128 : i32
      %mul3A_161 = arith.muli %add3A_159, %mul3A_160 : i32
      %add3A_162 = arith.addi %mul3A_2, %mul3A_161 : i32
      %dma_start3A_163 = arith.constant 0 : i32
      %dma_start3A_164 = tpu.memref_slice %arg4[%add3A_162, %dma_start3A_163] : memref<819200x128xf32, #tpu.memory_space<hbm>> -> memref<128x128xf32, #tpu.memory_space<hbm>>
      %dma_start3A_165 = arith.constant 0 : i32
      %dma_start3A_166 = tpu.memref_slice %arg4[%add3A_162, %dma_start3A_165] : memref<819200x128xf32, #tpu.memory_space<hbm>> -> memref<128x128xf32, #tpu.memory_space<hbm>>
      tpu.enqueue_dma source(%arg9 : memref<128x128xf32, #tpu.memory_space<vmem>>) target(%dma_start3A_166 : memref<128x128xf32, #tpu.memory_space<hbm>>) target_semaphore(%arg17 : memref<!tpu.dma_semaphore, #tpu.memory_space<semaphore_mem>>)
      %add3A_167 = arith.constant 0 : i32
      %add3A_168 = arith.addi %mul3A_98, %add3A_167 : i32
      %mul3A_169 = arith.constant 128 : i32
      %mul3A_170 = arith.muli %add3A_168, %mul3A_169 : i32
      %add3A_171 = arith.addi %mul3A_2, %mul3A_170 : i32
      %dma_wait3A_172 = arith.constant 0 : i32
      %dma_wait3A_173 = tpu.memref_slice %arg4[%add3A_171, %dma_wait3A_172] : memref<819200x128xf32, #tpu.memory_space<hbm>> -> memref<128x128xf32, #tpu.memory_space<hbm>>
      %dma_wait3A_174 = arith.constant 0 : i32
      %dma_wait3A_175 = tpu.memref_slice %arg4[%add3A_171, %dma_wait3A_174] : memref<819200x128xf32, #tpu.memory_space<hbm>> -> memref<128x128xf32, #tpu.memory_space<hbm>>
      tpu.wait_dma2 semaphore(%arg14 : memref<!tpu.dma_semaphore, #tpu.memory_space<semaphore_mem>>) src(%arg6 : memref<128x128xf32, #tpu.memory_space<vmem>>) dst(%dma_wait3A_175 : memref<128x128xf32, #tpu.memory_space<hbm>>)
      %add3A_176 = arith.constant 4 : i32
      %add3A_177 = arith.addi %mul3A_98, %add3A_176 : i32
      %add3A_178 = arith.constant 0 : i32
      %add3A_179 = arith.addi %add3A_177, %add3A_178 : i32
      %mul3A_180 = arith.constant 128 : i32
      %mul3A_181 = arith.muli %add3A_179, %mul3A_180 : i32
      %dma_start3A_182 = tpu.memref_slice %arg5[%mul3A_181] : memref<25600xi32, #tpu.memory_space<vmem>> -> memref<128xi32, #tpu.memory_space<vmem>>
      %dma_start3A_183 = arith.constant 0 : i32
      %dma_start3A_184 = arith.constant 0 : i32
      %dma_start3A_185 = tpu.memref_slice %arg2[%dma_start3A_183, %dma_start3A_184] : memref<100000x128xf32, #tpu.memory_space<hbm>> -> memref<100000x128xf32, #tpu.memory_space<hbm>>
      tpu.enqueue_indirect_dma source(%dma_start3A_185 : memref<100000x128xf32, #tpu.memory_space<hbm>>) target(%arg6 : memref<128x128xf32, #tpu.memory_space<vmem>>) offsets(%dma_start3A_182 : memref<128xi32, #tpu.memory_space<vmem>>) semaphore(%arg10 : memref<!tpu.dma_semaphore, #tpu.memory_space<semaphore_mem>>)
      %add3A_186 = arith.constant 1 : i32
      %add3A_187 = arith.addi %mul3A_98, %add3A_186 : i32
      %mul3A_188 = arith.constant 128 : i32
      %mul3A_189 = arith.muli %add3A_187, %mul3A_188 : i32
      %add3A_190 = arith.addi %mul3A_2, %mul3A_189 : i32
      %dma_wait3A_191 = arith.constant 0 : i32
      %dma_wait3A_192 = tpu.memref_slice %arg4[%add3A_190, %dma_wait3A_191] : memref<819200x128xf32, #tpu.memory_space<hbm>> -> memref<128x128xf32, #tpu.memory_space<hbm>>
      %dma_wait3A_193 = arith.constant 0 : i32
      %dma_wait3A_194 = tpu.memref_slice %arg4[%add3A_190, %dma_wait3A_193] : memref<819200x128xf32, #tpu.memory_space<hbm>> -> memref<128x128xf32, #tpu.memory_space<hbm>>
      tpu.wait_dma2 semaphore(%arg15 : memref<!tpu.dma_semaphore, #tpu.memory_space<semaphore_mem>>) src(%arg7 : memref<128x128xf32, #tpu.memory_space<vmem>>) dst(%dma_wait3A_194 : memref<128x128xf32, #tpu.memory_space<hbm>>)
      %add3A_195 = arith.constant 4 : i32
      %add3A_196 = arith.addi %mul3A_98, %add3A_195 : i32
      %add3A_197 = arith.constant 1 : i32
      %add3A_198 = arith.addi %add3A_196, %add3A_197 : i32
      %mul3A_199 = arith.constant 128 : i32
      %mul3A_200 = arith.muli %add3A_198, %mul3A_199 : i32
      %dma_start3A_201 = tpu.memref_slice %arg5[%mul3A_200] : memref<25600xi32, #tpu.memory_space<vmem>> -> memref<128xi32, #tpu.memory_space<vmem>>
      %dma_start3A_202 = arith.constant 0 : i32
      %dma_start3A_203 = arith.constant 0 : i32
      %dma_start3A_204 = tpu.memref_slice %arg2[%dma_start3A_202, %dma_start3A_203] : memref<100000x128xf32, #tpu.memory_space<hbm>> -> memref<100000x128xf32, #tpu.memory_space<hbm>>
      tpu.enqueue_indirect_dma source(%dma_start3A_204 : memref<100000x128xf32, #tpu.memory_space<hbm>>) target(%arg7 : memref<128x128xf32, #tpu.memory_space<vmem>>) offsets(%dma_start3A_201 : memref<128xi32, #tpu.memory_space<vmem>>) semaphore(%arg11 : memref<!tpu.dma_semaphore, #tpu.memory_space<semaphore_mem>>)
      %add3A_205 = arith.constant 2 : i32
      %add3A_206 = arith.addi %mul3A_98, %add3A_205 : i32
      %mul3A_207 = arith.constant 128 : i32
      %mul3A_208 = arith.muli %add3A_206, %mul3A_207 : i32
      %add3A_209 = arith.addi %mul3A_2, %mul3A_208 : i32
      %dma_wait3A_210 = arith.constant 0 : i32
      %dma_wait3A_211 = tpu.memref_slice %arg4[%add3A_209, %dma_wait3A_210] : memref<819200x128xf32, #tpu.memory_space<hbm>> -> memref<128x128xf32, #tpu.memory_space<hbm>>
      %dma_wait3A_212 = arith.constant 0 : i32
      %dma_wait3A_213 = tpu.memref_slice %arg4[%add3A_209, %dma_wait3A_212] : memref<819200x128xf32, #tpu.memory_space<hbm>> -> memref<128x128xf32, #tpu.memory_space<hbm>>
      tpu.wait_dma2 semaphore(%arg16 : memref<!tpu.dma_semaphore, #tpu.memory_space<semaphore_mem>>) src(%arg8 : memref<128x128xf32, #tpu.memory_space<vmem>>) dst(%dma_wait3A_213 : memref<128x128xf32, #tpu.memory_space<hbm>>)
      %add3A_214 = arith.constant 4 : i32
      %add3A_215 = arith.addi %mul3A_98, %add3A_214 : i32
      %add3A_216 = arith.constant 2 : i32
      %add3A_217 = arith.addi %add3A_215, %add3A_216 : i32
      %mul3A_218 = arith.constant 128 : i32
      %mul3A_219 = arith.muli %add3A_217, %mul3A_218 : i32
      %dma_start3A_220 = tpu.memref_slice %arg5[%mul3A_219] : memref<25600xi32, #tpu.memory_space<vmem>> -> memref<128xi32, #tpu.memory_space<vmem>>
      %dma_start3A_221 = arith.constant 0 : i32
      %dma_start3A_222 = arith.constant 0 : i32
      %dma_start3A_223 = tpu.memref_slice %arg2[%dma_start3A_221, %dma_start3A_222] : memref<100000x128xf32, #tpu.memory_space<hbm>> -> memref<100000x128xf32, #tpu.memory_space<hbm>>
      tpu.enqueue_indirect_dma source(%dma_start3A_223 : memref<100000x128xf32, #tpu.memory_space<hbm>>) target(%arg8 : memref<128x128xf32, #tpu.memory_space<vmem>>) offsets(%dma_start3A_220 : memref<128xi32, #tpu.memory_space<vmem>>) semaphore(%arg12 : memref<!tpu.dma_semaphore, #tpu.memory_space<semaphore_mem>>)
      %add3A_224 = arith.constant 3 : i32
      %add3A_225 = arith.addi %mul3A_98, %add3A_224 : i32
      %mul3A_226 = arith.constant 128 : i32
      %mul3A_227 = arith.muli %add3A_225, %mul3A_226 : i32
      %add3A_228 = arith.addi %mul3A_2, %mul3A_227 : i32
      %dma_wait3A_229 = arith.constant 0 : i32
      %dma_wait3A_230 = tpu.memref_slice %arg4[%add3A_228, %dma_wait3A_229] : memref<819200x128xf32, #tpu.memory_space<hbm>> -> memref<128x128xf32, #tpu.memory_space<hbm>>
      %dma_wait3A_231 = arith.constant 0 : i32
      %dma_wait3A_232 = tpu.memref_slice %arg4[%add3A_228, %dma_wait3A_231] : memref<819200x128xf32, #tpu.memory_space<hbm>> -> memref<128x128xf32, #tpu.memory_space<hbm>>
      tpu.wait_dma2 semaphore(%arg17 : memref<!tpu.dma_semaphore, #tpu.memory_space<semaphore_mem>>) src(%arg9 : memref<128x128xf32, #tpu.memory_space<vmem>>) dst(%dma_wait3A_232 : memref<128x128xf32, #tpu.memory_space<hbm>>)
      %add3A_233 = arith.constant 4 : i32
      %add3A_234 = arith.addi %mul3A_98, %add3A_233 : i32
      %add3A_235 = arith.constant 3 : i32
      %add3A_236 = arith.addi %add3A_234, %add3A_235 : i32
      %mul3A_237 = arith.constant 128 : i32
      %mul3A_238 = arith.muli %add3A_236, %mul3A_237 : i32
      %dma_start3A_239 = tpu.memref_slice %arg5[%mul3A_238] : memref<25600xi32, #tpu.memory_space<vmem>> -> memref<128xi32, #tpu.memory_space<vmem>>
      %dma_start3A_240 = arith.constant 0 : i32
      %dma_start3A_241 = arith.constant 0 : i32
      %dma_start3A_242 = tpu.memref_slice %arg2[%dma_start3A_240, %dma_start3A_241] : memref<100000x128xf32, #tpu.memory_space<hbm>> -> memref<100000x128xf32, #tpu.memory_space<hbm>>
      tpu.enqueue_indirect_dma source(%dma_start3A_242 : memref<100000x128xf32, #tpu.memory_space<hbm>>) target(%arg9 : memref<128x128xf32, #tpu.memory_space<vmem>>) offsets(%dma_start3A_239 : memref<128xi32, #tpu.memory_space<vmem>>) semaphore(%arg13 : memref<!tpu.dma_semaphore, #tpu.memory_space<semaphore_mem>>)
    }
    %scan3A_28 = arith.constant 49 : i32
    %dma_wait3A = arith.constant 25088 : i32
    %dma_wait3A_29 = tpu.memref_slice %arg5[%dma_wait3A] : memref<25600xi32, #tpu.memory_space<vmem>> -> memref<128xi32, #tpu.memory_space<vmem>>
    %dma_wait3A_30 = arith.constant 0 : i32
    %dma_wait3A_31 = arith.constant 0 : i32
    %dma_wait3A_32 = tpu.memref_slice %arg2[%dma_wait3A_30, %dma_wait3A_31] : memref<100000x128xf32, #tpu.memory_space<hbm>> -> memref<100000x128xf32, #tpu.memory_space<hbm>>
    tpu.wait_indirect_dma semaphore(%arg10 : memref<!tpu.dma_semaphore, #tpu.memory_space<semaphore_mem>>) src(%dma_wait3A_32 : memref<100000x128xf32, #tpu.memory_space<hbm>>) dst(%arg6 : memref<128x128xf32, #tpu.memory_space<vmem>>)
    %add3A_33 = arith.constant 25088 : i32
    %add3A_34 = arith.addi %mul3A_2, %add3A_33 : i32
    %dma_start3A_35 = arith.constant 0 : i32
    %dma_start3A_36 = tpu.memref_slice %arg4[%add3A_34, %dma_start3A_35] : memref<819200x128xf32, #tpu.memory_space<hbm>> -> memref<128x128xf32, #tpu.memory_space<hbm>>
    %dma_start3A_37 = arith.constant 0 : i32
    %dma_start3A_38 = tpu.memref_slice %arg4[%add3A_34, %dma_start3A_37] : memref<819200x128xf32, #tpu.memory_space<hbm>> -> memref<128x128xf32, #tpu.memory_space<hbm>>
    tpu.enqueue_dma source(%arg6 : memref<128x128xf32, #tpu.memory_space<vmem>>) target(%dma_start3A_38 : memref<128x128xf32, #tpu.memory_space<hbm>>) target_semaphore(%arg14 : memref<!tpu.dma_semaphore, #tpu.memory_space<semaphore_mem>>)
    %dma_wait3A_39 = arith.constant 25216 : i32
    %dma_wait3A_40 = tpu.memref_slice %arg5[%dma_wait3A_39] : memref<25600xi32, #tpu.memory_space<vmem>> -> memref<128xi32, #tpu.memory_space<vmem>>
    %dma_wait3A_41 = arith.constant 0 : i32
    %dma_wait3A_42 = arith.constant 0 : i32
    %dma_wait3A_43 = tpu.memref_slice %arg2[%dma_wait3A_41, %dma_wait3A_42] : memref<100000x128xf32, #tpu.memory_space<hbm>> -> memref<100000x128xf32, #tpu.memory_space<hbm>>
    tpu.wait_indirect_dma semaphore(%arg11 : memref<!tpu.dma_semaphore, #tpu.memory_space<semaphore_mem>>) src(%dma_wait3A_43 : memref<100000x128xf32, #tpu.memory_space<hbm>>) dst(%arg7 : memref<128x128xf32, #tpu.memory_space<vmem>>)
    %add3A_44 = arith.constant 25216 : i32
    %add3A_45 = arith.addi %mul3A_2, %add3A_44 : i32
    %dma_start3A_46 = arith.constant 0 : i32
    %dma_start3A_47 = tpu.memref_slice %arg4[%add3A_45, %dma_start3A_46] : memref<819200x128xf32, #tpu.memory_space<hbm>> -> memref<128x128xf32, #tpu.memory_space<hbm>>
    %dma_start3A_48 = arith.constant 0 : i32
    %dma_start3A_49 = tpu.memref_slice %arg4[%add3A_45, %dma_start3A_48] : memref<819200x128xf32, #tpu.memory_space<hbm>> -> memref<128x128xf32, #tpu.memory_space<hbm>>
    tpu.enqueue_dma source(%arg7 : memref<128x128xf32, #tpu.memory_space<vmem>>) target(%dma_start3A_49 : memref<128x128xf32, #tpu.memory_space<hbm>>) target_semaphore(%arg15 : memref<!tpu.dma_semaphore, #tpu.memory_space<semaphore_mem>>)
    %dma_wait3A_50 = arith.constant 25344 : i32
    %dma_wait3A_51 = tpu.memref_slice %arg5[%dma_wait3A_50] : memref<25600xi32, #tpu.memory_space<vmem>> -> memref<128xi32, #tpu.memory_space<vmem>>
    %dma_wait3A_52 = arith.constant 0 : i32
    %dma_wait3A_53 = arith.constant 0 : i32
    %dma_wait3A_54 = tpu.memref_slice %arg2[%dma_wait3A_52, %dma_wait3A_53] : memref<100000x128xf32, #tpu.memory_space<hbm>> -> memref<100000x128xf32, #tpu.memory_space<hbm>>
    tpu.wait_indirect_dma semaphore(%arg12 : memref<!tpu.dma_semaphore, #tpu.memory_space<semaphore_mem>>) src(%dma_wait3A_54 : memref<100000x128xf32, #tpu.memory_space<hbm>>) dst(%arg8 : memref<128x128xf32, #tpu.memory_space<vmem>>)
    %add3A_55 = arith.constant 25344 : i32
    %add3A_56 = arith.addi %mul3A_2, %add3A_55 : i32
    %dma_start3A_57 = arith.constant 0 : i32
    %dma_start3A_58 = tpu.memref_slice %arg4[%add3A_56, %dma_start3A_57] : memref<819200x128xf32, #tpu.memory_space<hbm>> -> memref<128x128xf32, #tpu.memory_space<hbm>>
    %dma_start3A_59 = arith.constant 0 : i32
    %dma_start3A_60 = tpu.memref_slice %arg4[%add3A_56, %dma_start3A_59] : memref<819200x128xf32, #tpu.memory_space<hbm>> -> memref<128x128xf32, #tpu.memory_space<hbm>>
    tpu.enqueue_dma source(%arg8 : memref<128x128xf32, #tpu.memory_space<vmem>>) target(%dma_start3A_60 : memref<128x128xf32, #tpu.memory_space<hbm>>) target_semaphore(%arg16 : memref<!tpu.dma_semaphore, #tpu.memory_space<semaphore_mem>>)
    %dma_wait3A_61 = arith.constant 25472 : i32
    %dma_wait3A_62 = tpu.memref_slice %arg5[%dma_wait3A_61] : memref<25600xi32, #tpu.memory_space<vmem>> -> memref<128xi32, #tpu.memory_space<vmem>>
    %dma_wait3A_63 = arith.constant 0 : i32
    %dma_wait3A_64 = arith.constant 0 : i32
    %dma_wait3A_65 = tpu.memref_slice %arg2[%dma_wait3A_63, %dma_wait3A_64] : memref<100000x128xf32, #tpu.memory_space<hbm>> -> memref<100000x128xf32, #tpu.memory_space<hbm>>
    tpu.wait_indirect_dma semaphore(%arg13 : memref<!tpu.dma_semaphore, #tpu.memory_space<semaphore_mem>>) src(%dma_wait3A_65 : memref<100000x128xf32, #tpu.memory_space<hbm>>) dst(%arg9 : memref<128x128xf32, #tpu.memory_space<vmem>>)
    %add3A_66 = arith.constant 25472 : i32
    %add3A_67 = arith.addi %mul3A_2, %add3A_66 : i32
    %dma_start3A_68 = arith.constant 0 : i32
    %dma_start3A_69 = tpu.memref_slice %arg4[%add3A_67, %dma_start3A_68] : memref<819200x128xf32, #tpu.memory_space<hbm>> -> memref<128x128xf32, #tpu.memory_space<hbm>>
    %dma_start3A_70 = arith.constant 0 : i32
    %dma_start3A_71 = tpu.memref_slice %arg4[%add3A_67, %dma_start3A_70] : memref<819200x128xf32, #tpu.memory_space<hbm>> -> memref<128x128xf32, #tpu.memory_space<hbm>>
    tpu.enqueue_dma source(%arg9 : memref<128x128xf32, #tpu.memory_space<vmem>>) target(%dma_start3A_71 : memref<128x128xf32, #tpu.memory_space<hbm>>) target_semaphore(%arg17 : memref<!tpu.dma_semaphore, #tpu.memory_space<semaphore_mem>>)
    %add3A_72 = arith.constant 25088 : i32
    %add3A_73 = arith.addi %mul3A_2, %add3A_72 : i32
    %dma_wait3A_74 = arith.constant 0 : i32
    %dma_wait3A_75 = tpu.memref_slice %arg4[%add3A_73, %dma_wait3A_74] : memref<819200x128xf32, #tpu.memory_space<hbm>> -> memref<128x128xf32, #tpu.memory_space<hbm>>
    %dma_wait3A_76 = arith.constant 0 : i32
    %dma_wait3A_77 = tpu.memref_slice %arg4[%add3A_73, %dma_wait3A_76] : memref<819200x128xf32, #tpu.memory_space<hbm>> -> memref<128x128xf32, #tpu.memory_space<hbm>>
    tpu.wait_dma2 semaphore(%arg14 : memref<!tpu.dma_semaphore, #tpu.memory_space<semaphore_mem>>) src(%arg6 : memref<128x128xf32, #tpu.memory_space<vmem>>) dst(%dma_wait3A_77 : memref<128x128xf32, #tpu.memory_space<hbm>>)
    %add3A_78 = arith.constant 25216 : i32
    %add3A_79 = arith.addi %mul3A_2, %add3A_78 : i32
    %dma_wait3A_80 = arith.constant 0 : i32
    %dma_wait3A_81 = tpu.memref_slice %arg4[%add3A_79, %dma_wait3A_80] : memref<819200x128xf32, #tpu.memory_space<hbm>> -> memref<128x128xf32, #tpu.memory_space<hbm>>
    %dma_wait3A_82 = arith.constant 0 : i32
    %dma_wait3A_83 = tpu.memref_slice %arg4[%add3A_79, %dma_wait3A_82] : memref<819200x128xf32, #tpu.memory_space<hbm>> -> memref<128x128xf32, #tpu.memory_space<hbm>>
    tpu.wait_dma2 semaphore(%arg15 : memref<!tpu.dma_semaphore, #tpu.memory_space<semaphore_mem>>) src(%arg7 : memref<128x128xf32, #tpu.memory_space<vmem>>) dst(%dma_wait3A_83 : memref<128x128xf32, #tpu.memory_space<hbm>>)
    %add3A_84 = arith.constant 25344 : i32
    %add3A_85 = arith.addi %mul3A_2, %add3A_84 : i32
    %dma_wait3A_86 = arith.constant 0 : i32
    %dma_wait3A_87 = tpu.memref_slice %arg4[%add3A_85, %dma_wait3A_86] : memref<819200x128xf32, #tpu.memory_space<hbm>> -> memref<128x128xf32, #tpu.memory_space<hbm>>
    %dma_wait3A_88 = arith.constant 0 : i32
    %dma_wait3A_89 = tpu.memref_slice %arg4[%add3A_85, %dma_wait3A_88] : memref<819200x128xf32, #tpu.memory_space<hbm>> -> memref<128x128xf32, #tpu.memory_space<hbm>>
    tpu.wait_dma2 semaphore(%arg16 : memref<!tpu.dma_semaphore, #tpu.memory_space<semaphore_mem>>) src(%arg8 : memref<128x128xf32, #tpu.memory_space<vmem>>) dst(%dma_wait3A_89 : memref<128x128xf32, #tpu.memory_space<hbm>>)
    %add3A_90 = arith.constant 25472 : i32
    %add3A_91 = arith.addi %mul3A_2, %add3A_90 : i32
    %dma_wait3A_92 = arith.constant 0 : i32
    %dma_wait3A_93 = tpu.memref_slice %arg4[%add3A_91, %dma_wait3A_92] : memref<819200x128xf32, #tpu.memory_space<hbm>> -> memref<128x128xf32, #tpu.memory_space<hbm>>
    %dma_wait3A_94 = arith.constant 0 : i32
    %dma_wait3A_95 = tpu.memref_slice %arg4[%add3A_91, %dma_wait3A_94] : memref<819200x128xf32, #tpu.memory_space<hbm>> -> memref<128x128xf32, #tpu.memory_space<hbm>>
    tpu.wait_dma2 semaphore(%arg17 : memref<!tpu.dma_semaphore, #tpu.memory_space<semaphore_mem>>) src(%arg9 : memref<128x128xf32, #tpu.memory_space<vmem>>) dst(%dma_wait3A_95 : memref<128x128xf32, #tpu.memory_space<hbm>>)
    return
  }
}

</mosaic_0001>

<sc_bundles>
// kernel: kernel.3.cloned.1.call-start
scs
__scs_entry_jumppad:
0x0: {  	(pc) =	sbr.rel $0x88, $3  }
0x1: {  	(tag) =	ssettag $0x0;
	lr =	simm.s32 $0x1  }
0x2: {  	[smem:$0x3F9F] =	sst lr;
	_ =	strace $0xD0000000  }
0x3: {  	_ = 	snop  }
0x4: {  	_ = 	snop  }
0x5: {  	_ = 	snop  }
0x6: {  	_ = 	snop  }
0x7: {  	_ = 	snop  }
__scs_overlays_trampoline_lowered:
0x8: {  	[smem:$0x3FAE] =	sst s0  }
0x9: {  	[smem:$0x3FAF] =	sst s1  }
0xa: {  	[smem:$0x3FB0] =	sst s2  }
0xb: {  	[smem:$0x3FB1] =	sst s3  }
0xc: {  	[smem:$0x3FB2] =	sst s4  }
0xd: {  	[smem:$0x3FB3] =	sst s5  }
0xe: {  	[smem:$0x3FB4] =	sst s6  }
0xf: {  	[smem:$0x3FB5] =	sst s7  }
0x10: {  	[smem:$0x3FB6] =	sst s8  }
0x11: {  	[smem:$0x3FB7] =	sst s9;
	s0 =	simm.s32 @!p0 $0x0  }
0x12: {  	s1 =	sld [smem:$0x3F9D];
	s0 =	simm.s32 @p0 $0x1  }
0x13: {  	[smem:$0x3FB8] =	sst s0;
	s0 =	simm.s32 @!p1 $0x0  }
0x14: {  	s2 =	sld [smem:$0x3F9C];
	s0 =	simm.s32 @p1 $0x1  }
0x15: {  	[smem:$0x3FB9] =	sst s0;
	s0 =	simm.s32 @!p2 $0x0  }
0x16: {  	s3 =	sld [smem:$0x3FDB];
	s0 =	simm.s32 @p2 $0x1  }
0x17: {  	s4 =	simm.s32 $0x1BF5;
	[smem:$0x3FBB] =	sst s0  }
0x18: {  	s0 =	sld [smem:$0x3F9E];
	_ =	swait.ge [sflag:s4], $0x0  }
0x19: {  	s7 =	sld [smem:$0x3F9F]  }
0x1a: {  	s8 =	sadd.s32 $0xFFFFE003, lr  }
0x1b: {  	s9 =	sadd.s32 $0xFFFFFEF7, lr;
	s5 =	simm.s32 $0xFFFFFFFF;
	p2 =	slt.u32 s8, $0xFFFFF086  }
0x1c: {  	p1 =	slt.u32 s9, $0xF7A;
	s5 =	simm.s32 @!p2 $0x0  }
0x1d: {  	s5 =	simm.s32 @p1 $0x1;
	p0 =	seq.s32 s7, s2  }
0x1e: {  	s7 =	smul.u32 @!p0 $0xF7A, s2;
	p2 =	seq.s32 @!p0 s5, $0x0  }
0x1f: {  	s9 =	smul.u32 $0xF7A, s1;
	s8 =	simm.s32 @!p0 $0x1BF5;
	p2 =	por !p2, p0  }
0x20: {  	[sflag:s8] =	ssyncset.s32 @!p0 $0xFFFFF086;
	s6 =	sadd.s32 @!p0 s3, s7;
	s7 =	simm.s32 @!p0 $0x108  }
0x21: {  	s3 =	sadd.s32 s3, s9;
	s6 =	sadd.s32 @!p0 $0x88, s6;
	s7 =	simm.s32 @p2 $0x1082  }
0x22: {  	[simem:s7], [sflag:s8] =	dma.local @!p0 [hbm:s6], $0xF7A  }
0x23: {  	s9 =	sor.u32 $0xD0000000, s2;
	s6 =	simm.s32 $0x108;
	_ =	swait.ge @!p0 [sflag:s8], $0x0  }
0x24: {  	s3 =	sadd.s32 $0x88, s3;
	s6 =	simm.s32 @!p1 $0x1082;
	[sflag:s4] =	ssyncset.s32 $0xFFFFF086  }
0x25: {  	[simem:s6], [sflag:s4] =	dma.local [hbm:s3], $0xF7A  }
0x26: {  	[smem:$0x3F9F] =	sst s1;
	(tag) =	ssettag s2;
	_ =	strace s9  }
0x27: {  	s1 =	sld [smem:$0x3FAF]  }
0x28: {  	s2 =	sld [smem:$0x3FB0]  }
0x29: {  	s4 =	sld [smem:$0x3FB2]  }
0x2a: {  	p0 =	seq.s32 s5, $0x0;
	s5 =	sld [smem:$0x3FB3]  }
0x2b: {  	s6 =	sld [smem:$0x3FB4]  }
0x2c: {  	s7 =	sld [smem:$0x3FB5]  }
0x2d: {  	s3 =	simm.s32 $0x108;
	s8 =	sld [smem:$0x3FB6]  }
0x2e: {  	s3 =	simm.s32 @!p0 $0x1082;
	s9 =	sld [smem:$0x3FB7]  }
0x2f: {  	lr =	sadd.s32 s0, s3;
	s0 =	sld [smem:$0x3FAE]  }
0x30: {  	s3 =	sld [smem:$0x3FB1]  }
0x31: {  	[smem:$0x3FBA] =	sst s10  }
0x32: {  	s10 =	sld [smem:$0x3FB8];
	_ =	sdelay $0x3  }
0x33: {  	p0 =	seq.s32 s10, $0x1;
	s10 =	sld [smem:$0x3FBA];
	_ =	sdelay $0x3  }
0x34: {  	[smem:$0x3FBA] =	sst s10  }
0x35: {  	s10 =	sld [smem:$0x3FB9];
	_ =	sdelay $0x3  }
0x36: {  	p1 =	seq.s32 s10, $0x1;
	s10 =	sld [smem:$0x3FBA];
	_ =	sdelay $0x3  }
0x37: {  	[smem:$0x3FBA] =	sst s10  }
0x38: {  	s10 =	sld [smem:$0x3FBB]  }
0x39: {  	_ = 	snop;
	(pc) =	sbr.ind lr, $3  }
0x3a: {  	_ = 	snop  }
0x3b: {  	_ = 	snop  }
0x3c: {  	p2 =	seq.s32 s10, $0x1;
	s10 =	sld [smem:$0x3FBA]  }
0x3d: {  	_ =	shalt  }
0x3e: {  	_ =	shalt  }
0x3f: {  	_ =	shalt  }
0x40: {  	_ =	shalt  }
0x41: {  	_ =	shalt  }
0x42: {  	_ =	shalt  }
0x43: {  	_ =	shalt  }
0x44: {  	_ =	shalt  }
0x45: {  	_ =	shalt  }
0x46: {  	_ =	shalt  }
0x47: {  	_ =	shalt  }
0x48: {  	_ =	shalt  }
0x49: {  	_ =	shalt  }
0x4a: {  	_ =	shalt  }
0x4b: {  	_ =	shalt  }
0x4c: {  	_ =	shalt  }
0x4d: {  	_ =	shalt  }
0x4e: {  	_ =	shalt  }
0x4f: {  	_ =	shalt  }
0x50: {  	_ =	shalt  }
0x51: {  	_ =	shalt  }
0x52: {  	_ =	shalt  }
0x53: {  	_ =	shalt  }
0x54: {  	_ =	shalt  }
0x55: {  	_ =	shalt  }
0x56: {  	_ =	shalt  }
0x57: {  	_ =	shalt  }
0x58: {  	_ =	shalt  }
0x59: {  	_ =	shalt  }
0x5a: {  	_ =	shalt  }
0x5b: {  	_ =	shalt  }
0x5c: {  	_ =	shalt  }
0x5d: {  	_ =	shalt  }
0x5e: {  	_ =	shalt  }
0x5f: {  	_ =	shalt  }
0x60: {  	_ =	shalt  }
0x61: {  	_ =	shalt  }
0x62: {  	_ =	shalt  }
0x63: {  	_ =	shalt  }
0x64: {  	_ =	shalt  }
0x65: {  	_ =	shalt  }
0x66: {  	_ =	shalt  }
0x67: {  	_ =	shalt  }
0x68: {  	_ =	shalt  }
0x69: {  	_ =	shalt  }
0x6a: {  	_ =	shalt  }
0x6b: {  	_ =	shalt  }
0x6c: {  	_ =	shalt  }
0x6d: {  	_ =	shalt  }
0x6e: {  	_ =	shalt  }
0x6f: {  	_ =	shalt  }
0x70: {  	_ =	shalt  }
0x71: {  	_ =	shalt  }
0x72: {  	_ =	shalt  }
0x73: {  	_ =	shalt  }
0x74: {  	_ =	shalt  }
0x75: {  	_ =	shalt  }
0x76: {  	_ =	shalt  }
0x77: {  	_ =	shalt  }
0x78: {  	_ =	shalt  }
0x79: {  	_ =	shalt  }
0x7a: {  	_ =	shalt  }
0x7b: {  	_ =	shalt  }
0x7c: {  	_ =	shalt  }
0x7d: {  	_ =	shalt  }
0x7e: {  	_ =	shalt  }
0x7f: {  	_ =	shalt  }
0x80: {  	_ =	shalt  }
0x81: {  	_ =	shalt  }
0x82: {  	_ =	shalt  }
0x83: {  	_ =	shalt  }
0x84: {  	_ =	shalt  }
0x85: {  	_ =	shalt  }
0x86: {  	_ =	shalt  }
0x87: {  	_ =	shalt  }
.Lfunc_end0:
.L_simem_size_0:
called_computation_lowered:
.L_overlay_start_0:
0x88: {  	s2 =	sld [smem:$0x3FD9]  }
0x89: {  	s3 =	sld [smem:$0x3FFE];
	_ =	sdelay $0x1  }
0x8a: {  	s1 =	srdreg.scid  }
0x8b: {  	s0 =	sand.u32 $0x1, s1  }
0x8c: {  	s17 =	sshll.u32 s0, $0xA;
	s2 =	sadd.s32 s3, s2  }
0x8d: {  	s2 =	sadd.s32 s2, s17  }
0x8e: {  	[smem:$0x3FC6] =	sst s2  }
0x8f: {  	_ = 	snop  }
0x90: {  	s2 =	sld [smem:$0x3FC8]  }
0x91: {  	s18 =	sld [smem:$0x3FD0];
	(tm) =	ssettm $0x1  }
0x92: {  	s4 =	sld [smem:$0x3FFB];
	_ =	sdelay $0x3  }
0x93: {  	_ =	strace s4  }
0x94: {  	s4 =	sld [smem:$0x3FFC];
	_ =	sdelay $0x3  }
0x95: {  	_ =	strace s4  }
0x96: {  	s4 =	sld [smem:$0x3FFD];
	_ =	sdelay $0x3  }
0x97: {  	_ =	strace s4  }
0x98: {  	_ =	strace $0x8FFFFFFF  }
0x99: {  	s19 =	sld [smem:$0x3FDB];
	_ =	sdelay $0x1  }
0x9a: {  	s5 =	simm.s32 $_scs_section_size  }
0x9b: {  	s6 =	simm.s32 $_size__tile_overlayer_lowered;
	s7 =	simm.s32 $_tile_overlayer_lowered  }
0x9c: {  	s22 =	simm.s32 $0x1BFF;
	s21 =	sshll.u32 s7, $0x1;
	s4 =	sadd.s32 s5, s19  }
0x9d: {  	s8 =	simm.s32 $0x0;
	s20 =	sshll.u32 s6, $0x1;
	s6 =	sadd.s32 s21, s4  }
0x9e: {  	[timem:s8], [sflag:s22] =	dma.local [hbm:s6], s20  }
0x9f: {  	_ =	swait.ge [sflag:s22], s20  }
0xa0: {  	s5 =	ssub.s32 $0x0, s20;
	[sflag:s22] =	ssyncset.done $0x0  }
0xa1: {  	[sflag:s22] =	ssyncadd.s32 s5;
	_ =	sdelay $0x1  }
0xa2: {  	s23 =	simm.s32 $0x1B8B  }
0xa3: {  	_ =	swait.ge [sflag:s23], $0x1  }
0xa4: {  	[sflag:s23] =	ssyncset.done $0x0  }
0xa5: {  	s25 =	simm.s32 $0x1B8E;
	s24 =	sld [smem:$0x3FFE];
	[sflag:s23] =	ssyncadd.s32 $0xFFFFFFFF  }
0xa6: {  	s26 =	simm.s32 $execute0_lowered;
	[smem:$0x3FD2] =	sst s25  }
0xa7: {  	s6 =	sshll.u32 s26, $0x1;
	_ =	strace $0x80000046;
	[dreg:$0x1] =	wrdreg $0xFFFFFFFF  }
0xa8: {  	s28 =	simm.s32 $_size_execute0_lowered;
	s4 =	sadd.s32 s4, s6;
	[dreg:$0x0] =	wrdreg $0x0  }
0xa9: {  	s6 =	sshll.u32 s28, $0x1;
	[dreg:$0x2] =	wrdreg s4  }
0xaa: {  	[dreg:$0x3] =	wrdreg s6  }
0xab: {  	[dreg:$0x4] =	wrdreg $0xC0  }
0xac: {  	_ =	task [dreg:s8], $0x5FFFF  }
0xad: {  	[dreg:$0x1] =	wrdreg $0xFFFFFFFF  }
0xae: {  	[dreg:$0x0] =	wrdreg $0x60  }
0xaf: {  	[dreg:$0x2] =	wrdreg s2  }
0xb0: {  	[dreg:$0x3] =	wrdreg s24  }
0xb1: {  	[dreg:$0x4] =	wrdreg s18  }
0xb2: {  	[dreg:$0x5] =	wrdreg $0x9  }
0xb3: {  	_ =	task.clear_ibuf [dreg:s8], $0x6FFFF;
	_ =	strace $0x90000046  }
0xb4: {  	s29 =	simm.s32 $0x9;
	_ =	strace $0x80000048  }
0xb5: {  	_ =	swait.ge [sflag:s29], $0x1  }
0xb6: {  	[sflag:s29] =	ssyncadd.s32 $0xFFFFFFFF  }
0xb7: {  	_ =	strace $0x90000048  }
0xb8: {  	_ =	sfence  }
0xb9: {  	s30 =	sld [smem:$0x0];
	_ =	sdelay $0x2  }
0xba: {  	s31 =	sshll.u32 s1, $0xD;
	s1 =	sshrl.u32 s1, $0x2  }
0xbb: {  	s3 =	sand.u32 $0x4000, s31;
	s1 =	sadd.s32 s1, s30  }
0xbc: {  	s0 =	sor.u32 s3, s0;
	s1 =	sshll.u32 s1, $0x11  }
0xbd: {  	s0 =	sor.u32 s1, s0  }
0xbe: {  	s0 =	sadd.s32 $0x8F2B, s0  }
0xbf: {  	[sflag:s0] =	ssyncadd.remote.s32 $0x1  }
0xc0: {  	_ =	sfence.sel $0xFFFF  }
0xc1: {  	[dreg:$0x0] =	wrdreg $0xFFFFFFFF;
	(pc) =	sbr.abs _section_cstart, $3  }
0xc2: {  	[dreg:$0x1] =	wrdreg $0xFFFFFFFF  }
0xc3: {  	_ =	task.clear_ibuf [dreg:s8], $0x2FFFF;
	_ =	strace $0x9FFFFFFF  }
0xc4: {  	(tm) =	ssettm $0x7FFFFFFF  }
0xc5: {  	_ =	shalt  }
tec
execute0_lowered:
.L_overlay_start_1:
0x0: {  	(tag) =	ssettag $0x1  }
0x1: {  	s1 =	rddreg [dreg:$0x0]  }
0x2: {  	s2 =	srdreg.scid;
	s4 =	rddreg [dreg:$0x1]  }
0x3: {  	s0 =	stileid.u32;
	s11 =	rddreg [dreg:$0x2];
	s14 =	simm.s32 $0x6400  }
0x4: {  	s15 =	simm.s32 $0xA400;
	s17 =	simm.s32 $0xE400;
	s18 =	simm.s32 $0x180  }
0x5: {  	s19 =	simm.s32 $0x12400;
	s20 =	simm.s32 $0x1;
	s21 =	simm.s32 $0x2  }
0x6: {  	s22 =	simm.s32 $0x3;
	s23 =	simm.s32 $0x4;
	s24 =	simm.s32 $0x5  }
0x7: {  	s25 =	simm.s32 $0x6;
	s26 =	simm.s32 $0x7;
	s8 =	smul.u32 $0x640000, s0  }
0x8: {  	s2 =	sand.u32 $0x1, s2;
	s3 =	sshll.u32 s0, $0x1;
	s13 =	smul.u32 $0xC8000, s0  }
0x9: {  	s28 =	simm.s32 $0x8;
	s5 =	sor.u32 s2, s3;
	s12 =	smul.u32 $0x320000, s2  }
0xa: {  	s3 =	simm.s32 $0x0;
	s30 =	ssub.s32 $0x2, s2;
	s2 =	smul.u32 $0x64000, s2  }
0xb: {  	s29 =	simm.s32 $0x0;
	s6 =	smul.u32 $0x6400, s5;
	[smem:$0x7FF] =	sst s3  }
0xc: {  	s5 =	smul.u32 $0x320000, s5;
	s7 =	sshrl.u32 s30, $0x1;
	_ =	strace $0x80000047  }
0xd: {  	s9 =	ssub.s32 s30, s7;
	s12 =	sadd.s32 s12, s8;
	s6 =	sshrl.u32 s6, $0x3  }
0xe: {  	s5 =	sshrl.u32 s5, $0x3;
	s31 =	sshrl.u32 s12, $0x3;
	s9 =	smax.u32 s9, $0x1  }
0xf: {  	s12 =	simm.s32 $0x9;
	s4 =	sadd.s32 s6, s4;
	s10 =	sadd.s32 s11, s5  }
0x10: {  	s5 =	sadd.s32 $0x62000, s10;
	s6 =	sadd.s32 $0x62800, s10;
	s7 =	sadd.s32 $0x63000, s10  }
0x11: {  	s8 =	sadd.s32 $0x63800, s10;
	s10 =	sadd.s32 s31, s11;
	s11 =	sadd.s32 s13, s11  }
0x12: {  	s4 =	sadd.s32 $0x400, s4;
	s13 =	simm.s32 $0x80;
	s11 =	sadd.s32 s2, s11  }
.LBB2_1:
0x13: {  	[tilespmem:s3], [sflag:$0x9] =	stream.linear.gather [hbm4b:s4+s3], $0x6400, $0x38;
	[tilespmem:$0x16400] =	vst v63  }
0x14: {  	_ =	swait.ge [sflag:s12], $0x6400  }
0x15: {  	[sflag:s12] =	ssyncset.done $0x0  }
0x16: {  	[sflag:s12] =	ssyncadd.s32 $0xFFFF9C00  }
0x17: {  	[tilespmem:s14], [sflag:$0x1] =	stream.indirect.gather [hbm4b:s1+s13], $0x80, s3, s13, $0xb8;
	[tilespmem:$0x16400] =	vst v63  }
0x18: {  	_ = 	snop  }
0x19: {  	[tilespmem:s15], [sflag:$0x2] =	stream.indirect.gather [hbm4b:s1+s13], $0x80, s13, s13, $0xb8;
	[tilespmem:$0x16400] =	vst v63  }
0x1a: {  	s0 =	simm.s32 $0x100  }
0x1b: {  	[tilespmem:s17], [sflag:$0x3] =	stream.indirect.gather [hbm4b:s1+s13], $0x80, s0, s13, $0xb8;
	[tilespmem:$0x16400] =	vst v63  }
0x1c: {  	_ = 	snop  }
0x1d: {  	[tilespmem:s19], [sflag:$0x4] =	stream.indirect.gather [hbm4b:s1+s13], $0x80, s18, s13, $0xb8;
	[tilespmem:$0x16400] =	vst v63  }
0x1e: {  	_ =	swait.ge [sflag:s20], $0x4000  }
0x1f: {  	[sflag:s20] =	ssyncset.done $0x0  }
0x20: {  	s2 =	sadd.s32 $0x0, s10;
	[sflag:s20] =	ssyncadd.s32 $0xFFFFC000  }
0x21: {  	[hbm4b:s2+s3] =	stream.linear.scatter [tilespmem:s14], [sflag:$0x5], $0x4000, $0x38;
	[tilespmem:$0x16400] =	vst v63  }
0x22: {  	_ =	swait.ge [sflag:s21], $0x4000  }
0x23: {  	s0 =	sadd.s32 $0x0, s11;
	[sflag:s21] =	ssyncset.done $0x0  }
0x24: {  	s30 =	sadd.s32 $0x800, s0;
	[sflag:s21] =	ssyncadd.s32 $0xFFFFC000  }
0x25: {  	[hbm4b:s30+s3] =	stream.linear.scatter [tilespmem:s15], [sflag:$0x6], $0x4000, $0x38;
	[tilespmem:$0x16400] =	vst v63  }
0x26: {  	_ =	swait.ge [sflag:s22], $0x4000  }
0x27: {  	[sflag:s22] =	ssyncset.done $0x0  }
0x28: {  	s30 =	sadd.s32 $0x1000, s0;
	[sflag:s22] =	ssyncadd.s32 $0xFFFFC000  }
0x29: {  	[hbm4b:s30+s3] =	stream.linear.scatter [tilespmem:s17], [sflag:$0x7], $0x4000, $0x38;
	[tilespmem:$0x16400] =	vst v63  }
0x2a: {  	_ =	swait.ge [sflag:s23], $0x4000  }
0x2b: {  	[sflag:s23] =	ssyncset.done $0x0  }
0x2c: {  	s2 =	sadd.s32 $0x1800, s0;
	[sflag:s23] =	ssyncadd.s32 $0xFFFFC000  }
0x2d: {  	[hbm4b:s2+s3] =	stream.linear.scatter [tilespmem:s19], [sflag:$0x8], $0x4000, $0x38;
	[tilespmem:$0x16400] =	vst v63  }
0x2e: {  	_ =	swait.ge [sflag:s24], $0x4000  }
0x2f: {  	[sflag:s24] =	ssyncset.done $0x0  }
0x30: {  	s16 =	simm.s32 $0x200;
	[sflag:s24] =	ssyncadd.s32 $0xFFFFC000  }
0x31: {  	[tilespmem:s14], [sflag:$0x1] =	stream.indirect.gather [hbm4b:s1+s13], $0x80, s16, s13, $0xb8;
	[tilespmem:$0x16400] =	vst v63  }
0x32: {  	_ =	swait.ge [sflag:s25], $0x4000  }
0x33: {  	[sflag:s25] =	ssyncset.done $0x0  }
0x34: {  	s0 =	simm.s32 $0x280;
	[sflag:s25] =	ssyncadd.s32 $0xFFFFC000  }
0x35: {  	[tilespmem:s15], [sflag:$0x2] =	stream.indirect.gather [hbm4b:s1+s13], $0x80, s0, s13, $0xb8;
	[tilespmem:$0x16400] =	vst v63  }
0x36: {  	_ =	swait.ge [sflag:s26], $0x4000  }
0x37: {  	[sflag:s26] =	ssyncset.done $0x0  }
0x38: {  	s16 =	simm.s32 $0x300;
	[sflag:s26] =	ssyncadd.s32 $0xFFFFC000  }
0x39: {  	[tilespmem:s17], [sflag:$0x3] =	stream.indirect.gather [hbm4b:s1+s13], $0x80, s16, s13, $0xb8;
	[tilespmem:$0x16400] =	vst v63  }
0x3a: {  	_ =	swait.ge [sflag:s28], $0x4000  }
0x3b: {  	s31 =	simm.s32 $0x2000;
	[sflag:s28] =	ssyncset.done $0x0  }
0x3c: {  	s30 =	simm.s32 $0x380;
	s2 =	simm.s32 $0x580;
	[sflag:s28] =	ssyncadd.s32 $0xFFFFC000  }
.LBB2_2:
0x3d: {  	[tilespmem:s19], [sflag:$0x4] =	stream.indirect.gather [hbm4b:s1+s13], $0x80, s30, s13, $0xb8;
	[tilespmem:$0x16400] =	vst v63  }
0x3e: {  	s0 =	smov.u32 s31;
	s30 =	smov.u32 s2  }
0x3f: {  	p0 =	sne.s32 s31, $0x60000;
	s31 =	sadd.s32 $0x2000, s31;
	_ =	swait.ge [sflag:s20], $0x4000  }
0x40: {  	[sflag:s20] =	ssyncset.done $0x0  }
0x41: {  	s16 =	sadd.s32 s0, s10;
	[sflag:s20] =	ssyncadd.s32 $0xFFFFC000  }
0x42: {  	[hbm4b:s16+s3] =	stream.linear.scatter [tilespmem:s14], [sflag:$0x5], $0x4000, $0x38;
	[tilespmem:$0x16400] =	vst v63  }
0x43: {  	_ =	swait.ge [sflag:s21], $0x4000  }
0x44: {  	s0 =	sadd.s32 s0, s11;
	[sflag:s21] =	ssyncset.done $0x0  }
0x45: {  	s16 =	sadd.s32 $0x800, s0;
	[sflag:s21] =	ssyncadd.s32 $0xFFFFC000  }
0x46: {  	[hbm4b:s16+s3] =	stream.linear.scatter [tilespmem:s15], [sflag:$0x6], $0x4000, $0x38;
	[tilespmem:$0x16400] =	vst v63  }
0x47: {  	_ =	swait.ge [sflag:s22], $0x4000  }
0x48: {  	[sflag:s22] =	ssyncset.done $0x0  }
0x49: {  	s16 =	sadd.s32 $0x1000, s0;
	[sflag:s22] =	ssyncadd.s32 $0xFFFFC000  }
0x4a: {  	[hbm4b:s16+s3] =	stream.linear.scatter [tilespmem:s17], [sflag:$0x7], $0x4000, $0x38;
	[tilespmem:$0x16400] =	vst v63  }
0x4b: {  	_ =	swait.ge [sflag:s23], $0x4000  }
0x4c: {  	[sflag:s23] =	ssyncset.done $0x0  }
0x4d: {  	s0 =	sadd.s32 $0x1800, s0;
	[sflag:s23] =	ssyncadd.s32 $0xFFFFC000  }
0x4e: {  	[hbm4b:s0+s3] =	stream.linear.scatter [tilespmem:s19], [sflag:$0x8], $0x4000, $0x38;
	[tilespmem:$0x16400] =	vst v63  }
0x4f: {  	_ =	swait.ge [sflag:s24], $0x4000  }
0x50: {  	[sflag:s24] =	ssyncset.done $0x0  }
0x51: {  	s0 =	sadd.s32 $0xFFFFFE80, s2;
	[sflag:s24] =	ssyncadd.s32 $0xFFFFC000  }
0x52: {  	[tilespmem:s14], [sflag:$0x1] =	stream.indirect.gather [hbm4b:s1+s13], $0x80, s0, s13, $0xb8;
	[tilespmem:$0x16400] =	vst v63  }
0x53: {  	_ =	swait.ge [sflag:s25], $0x4000  }
0x54: {  	[sflag:s25] =	ssyncset.done $0x0  }
0x55: {  	s0 =	sadd.s32 $0xFFFFFF00, s2;
	[sflag:s25] =	ssyncadd.s32 $0xFFFFC000  }
0x56: {  	[tilespmem:s15], [sflag:$0x2] =	stream.indirect.gather [hbm4b:s1+s13], $0x80, s0, s13, $0xb8;
	[tilespmem:$0x16400] =	vst v63  }
0x57: {  	_ =	swait.ge [sflag:s26], $0x4000  }
0x58: {  	[sflag:s26] =	ssyncset.done $0x0  }
.Ltmp0:
0x59: {  	s0 =	sadd.s32 $0xFFFFFF80, s2;
	[sflag:s26] =	ssyncadd.s32 $0xFFFFC000;
	(pc) =	sbr.rel @p0 .LBB2_2-.Ltmp0, $4  }
0x5a: {  	[tilespmem:s17], [sflag:$0x3] =	stream.indirect.gather [hbm4b:s1+s13], $0x80, s0, s13, $0xb8;
	[tilespmem:$0x16400] =	vst v63  }
0x5b: {  	_ =	swait.ge [sflag:s28], $0x4000  }
0x5c: {  	[sflag:s28] =	ssyncset.done $0x0  }
0x5d: {  	s2 =	sadd.s32 $0x200, s2;
	[sflag:s28] =	ssyncadd.s32 $0xFFFFC000  }
0x5e: {  	[tilespmem:s19], [sflag:$0x4] =	stream.indirect.gather [hbm4b:s1+s13], $0x80, s30, s13, $0xb8;
	[tilespmem:$0x16400] =	vst v63  }
0x5f: {  	_ =	swait.ge [sflag:s20], $0x4000  }
0x60: {  	[sflag:s20] =	ssyncset.done $0x0  }
0x61: {  	[sflag:s20] =	ssyncadd.s32 $0xFFFFC000  }
0x62: {  	[hbm4b:s5+s3] =	stream.linear.scatter [tilespmem:s14], [sflag:$0x5], $0x4000, $0x38;
	[tilespmem:$0x16400] =	vst v63  }
0x63: {  	_ =	swait.ge [sflag:s21], $0x4000  }
0x64: {  	[sflag:s21] =	ssyncset.done $0x0  }
0x65: {  	[sflag:s21] =	ssyncadd.s32 $0xFFFFC000  }
0x66: {  	[hbm4b:s6+s3] =	stream.linear.scatter [tilespmem:s15], [sflag:$0x6], $0x4000, $0x38;
	[tilespmem:$0x16400] =	vst v63  }
0x67: {  	_ =	swait.ge [sflag:s22], $0x4000  }
0x68: {  	[sflag:s22] =	ssyncset.done $0x0  }
0x69: {  	[sflag:s22] =	ssyncadd.s32 $0xFFFFC000  }
0x6a: {  	[hbm4b:s7+s3] =	stream.linear.scatter [tilespmem:s17], [sflag:$0x7], $0x4000, $0x38;
	[tilespmem:$0x16400] =	vst v63  }
0x6b: {  	_ =	swait.ge [sflag:s23], $0x4000  }
0x6c: {  	[sflag:s23] =	ssyncset.done $0x0  }
0x6d: {  	[sflag:s23] =	ssyncadd.s32 $0xFFFFC000  }
0x6e: {  	[hbm4b:s8+s3] =	stream.linear.scatter [tilespmem:s19], [sflag:$0x8], $0x4000, $0x38;
	[tilespmem:$0x16400] =	vst v63  }
0x6f: {  	_ =	swait.ge [sflag:s24], $0x4000  }
0x70: {  	[sflag:s24] =	ssyncset.done $0x0  }
0x71: {  	[sflag:s24] =	ssyncadd.s32 $0xFFFFC000  }
0x72: {  	_ =	swait.ge [sflag:s25], $0x4000  }
0x73: {  	[sflag:s25] =	ssyncset.done $0x0  }
0x74: {  	s29 =	sadd.s32 $0x1, s29;
	[sflag:s25] =	ssyncadd.s32 $0xFFFFC000  }
0x75: {  	p0 =	sne.s32 s29, s9;
	_ =	swait.ge [sflag:s26], $0x4000  }
.Ltmp1:
0x76: {  	[sflag:s26] =	ssyncset.done $0x0;
	(pc) =	sbr.rel @p0 .LBB2_1-.Ltmp1, $4  }
0x77: {  	[sflag:s26] =	ssyncadd.s32 $0xFFFFC000  }
0x78: {  	_ =	swait.ge [sflag:s28], $0x4000  }
0x79: {  	[sflag:s28] =	ssyncset.done $0x0  }
0x7a: {  	[sflag:s28] =	ssyncadd.s32 $0xFFFFC000  }
0x7b: {  	_ =	sfence.sel $0x180000  }
0x7c: {  	[bflag:$0x0] =	sbarrier.arrive $0xFFFF  }
0x7d: {  	_ =	strace $0x90000047  }
0x7e: {  	s0 =	stileid.u32;
	[bflag:$0x2] =	sbarrier.arrive $0xFFFF  }
0x7f: {  	p0 =	sne.s32 s0, $0x0;
	s0 =	rddreg [dreg:$0x3]  }
0x80: {  	s0 =	sadd.s32 @!p0 $0x100000, s0  }
0x81: {  	[sflag:s0] =	ssyncadd.tile.s32 @!p0 $0x1;
	_ =	shalt  }
.Lfunc_end2:
_tile_overlayer_lowered:
.L_overlay_start_2:
0x82: {  	(tag) =	ssettag $0x2  }
0x83: {  	s0 =	rddreg [dreg:$0x0];
	s2 =	stileid.u32  }
0x84: {  	s1 =	rddreg [dreg:$0x1];
	p0 =	sne.s32 s2, $0x0  }
0x85: {  	s3 =	rddreg [dreg:$0x2];
	[bflag:$0x3] =	sbarrier.arrive $0xFFFF;
	s2 =	simm.s32 @!p0 $0x1C09  }
0x86: {  	[timem:s3], [sflag:s2] =	dma.local @!p0 [hbm:s0], s1  }
0x87: {  	s0 =	simm.s32 @!p0 $0x9  }
0x88: {  	_ =	swait.ge @!p0 [sflag:s0], s1  }
0x89: {  	s1 =	ssub.s32 @!p0 $0x0, s1;
	[sflag:s0] =	ssyncset.done @!p0 $0x0  }
0x8a: {  	[sflag:s0] =	ssyncadd.s32 @!p0 s1  }
0x8b: {  	[bflag:$0x3] =	sbarrier.arrive $0xFFFF  }
0x8c: {  	_ =	shalt  }

</sc_bundles>
